<compile_context>
chip_gen: v7x
topology: tpu7x:2x2x1
jax: 0.10.2.dev20260603
libtpu: 0.0.44.dev20260713+nightly
codegen_flags: <defaults>
</compile_context>

<pallas_src>
import functools

import jax
import jax.numpy as jnp
from jax import lax
from jax.experimental import pallas as pl
from jax.experimental.pallas import tpu as pltpu
from jax.experimental.pallas import tpu_sc as plsc

EMBED = 64
NSPLIT = 4


def kernel(next_id, next_category, next_subcategory, id_table, category_table,
           subcategory_table):
    B = next_id.shape[0]
    next_id = next_id.astype(jnp.int32)
    next_category = next_category.astype(jnp.int32)
    next_subcategory = next_subcategory.astype(jnp.int32)
    cat_rows = category_table.shape[0]
    sub_rows = subcategory_table.shape[0]

    info = plsc.get_sparse_core_info()
    nw = info.num_cores * info.num_subcores
    b_per_w = B // nw
    piece = b_per_w // NSPLIT

    mesh = plsc.VectorSubcoreMesh(core_axis_name="c", subcore_axis_name="s")

    @functools.partial(
        pl.kernel,
        mesh=mesh,
        out_type=jax.ShapeDtypeStruct((B, 3 * EMBED), jnp.float32),
        compiler_params=pltpu.CompilerParams(use_tc_tiling_on_sc=False),
        scratch_types=[
            pltpu.VMEM((b_per_w,), jnp.int32),
            pltpu.VMEM((b_per_w,), jnp.int32),
            pltpu.VMEM((b_per_w,), jnp.int32),
            pltpu.VMEM((b_per_w, EMBED), jnp.float32),
            pltpu.VMEM((b_per_w, EMBED), jnp.float32),
            pltpu.VMEM((b_per_w, EMBED), jnp.float32),
            pltpu.VMEM_SHARED((cat_rows, EMBED), jnp.float32),
            pltpu.VMEM_SHARED((sub_rows, EMBED), jnp.float32),
            [pltpu.SemaphoreType.DMA for _ in range(NSPLIT)],
            [pltpu.SemaphoreType.DMA for _ in range(2)],
            [pltpu.SemaphoreType.DMA for _ in range(3)],
            pltpu.SemaphoreType.DMA,
        ],
    )
    def gather_concat(id_idx_hbm, cat_idx_hbm, sub_idx_hbm, id_tab, cat_tab,
                      sub_tab, out_hbm, idx0, idx1, idx2, rows0, rows1, rows2,
                      cat_sh, sub_sh, gsem0, gsem12, wsem, isem):
        sid = lax.axis_index("s")
        wid = sid * info.num_cores + lax.axis_index("c")
        base = wid * b_per_w
        i0 = pltpu.async_copy(id_idx_hbm.at[pl.ds(base, b_per_w)], idx0, isem)
        i1 = pltpu.async_copy(cat_idx_hbm.at[pl.ds(base, b_per_w)], idx1, isem)
        i2 = pltpu.async_copy(sub_idx_hbm.at[pl.ds(base, b_per_w)], idx2, isem)

        @pl.when(sid == 0)
        def _stage():
            pltpu.sync_copy(cat_tab, cat_sh)
            pltpu.sync_copy(sub_tab, sub_sh)

        i0.wait()
        id_gathers = [
            pltpu.async_copy(
                id_tab.at[idx0.at[pl.ds(k * piece, piece)]],
                rows0.at[pl.ds(k * piece, piece)], gsem0[k])
            for k in range(NSPLIT)
        ]
        plsc.subcore_barrier()
        i1.wait(); i2.wait()
        g1 = pltpu.async_copy(cat_sh.at[idx1], rows1, gsem12[0])
        g2 = pltpu.async_copy(sub_sh.at[idx2], rows2, gsem12[1])
        g1.wait()
        w1 = pltpu.async_copy(
            rows1, out_hbm.at[pl.ds(base, b_per_w), pl.ds(EMBED, EMBED)],
            wsem[1])
        g2.wait()
        w2 = pltpu.async_copy(
            rows2, out_hbm.at[pl.ds(base, b_per_w), pl.ds(2 * EMBED, EMBED)],
            wsem[2])
        for g in id_gathers:
            g.wait()
        w0 = pltpu.async_copy(
            rows0, out_hbm.at[pl.ds(base, b_per_w), pl.ds(0, EMBED)], wsem[0])
        w1.wait()
        w2.wait()
        w0.wait()

    return gather_concat(next_id, next_category, next_subcategory, id_table,
                         category_table, subcategory_table)

# --- scband reference (transcript-rebuilt; emitter-appended) ---
"""Pipeline reference for scband-news-model-40226663694771 (READ-ONLY COPY).

The authoritative reference and input builder live on the scoring server;
editing this copy changes nothing except your own understanding.
"""

import jax, jax.numpy as jnp
import numpy as np

EMBED_DIM = 64
NEWS_ID_VOCAB = 100000
CATEGORY_VOCAB = 20
SUBCATEGORY_VOCAB = 300
BATCH = 16384


def setup_inputs(seed: int = 0) -> dict:
    key = jax.random.key(seed)
    k1, k2, k3, k4, k5, k6 = jax.random.split(key, 6)
    next_id = jax.random.randint(k1, (BATCH,), 0, NEWS_ID_VOCAB + 1, dtype=jnp.int64 if jax.config.jax_enable_x64 else jnp.int32)
    next_category = jax.random.randint(k2, (BATCH,), 0, CATEGORY_VOCAB + 1, dtype=next_id.dtype)
    next_subcategory = jax.random.randint(k3, (BATCH,), 0, SUBCATEGORY_VOCAB + 1, dtype=next_id.dtype)
    # Embedding tables (Keras Embedding default: uniform(-0.05, 0.05)), size vocab+1 for OOV bucket
    id_table = jax.random.uniform(k4, (NEWS_ID_VOCAB + 1, EMBED_DIM), minval=-0.05, maxval=0.05, dtype=jnp.float32)
    category_table = jax.random.uniform(k5, (CATEGORY_VOCAB + 1, EMBED_DIM), minval=-0.05, maxval=0.05, dtype=jnp.float32)
    subcategory_table = jax.random.uniform(k6, (SUBCATEGORY_VOCAB + 1, EMBED_DIM), minval=-0.05, maxval=0.05, dtype=jnp.float32)
    return {
        "next_id": next_id,
        "next_category": next_category,
        "next_subcategory": next_subcategory,
        "id_table": id_table,
        "category_table": category_table,
        "subcategory_table": subcategory_table,
    }


def reference(next_id, next_category, next_subcategory, id_table, category_table, subcategory_table):
    # StringLookup already applied (indices are integer ids); Embedding = row gather.
    id_emb = jnp.take(id_table, next_id, axis=0)
    cat_emb = jnp.take(category_table, next_category, axis=0)
    subcat_emb = jnp.take(subcategory_table, next_subcategory, axis=0)
    return jnp.concatenate([id_emb, cat_emb, subcat_emb], axis=1)

if __name__ == "__main__":
    import jax
    _d = setup_inputs()
    print(jax.jit(kernel)(*tuple(_d.values())))

</pallas_src>

<mosaic_0001>
#map = affine_map<(d0, d1) -> (0)>
#map1 = affine_map<(d0, d1) -> (0, 0)>
module attributes {stable_mosaic.version = 14 : i64} {
  func.func @gather_concat(%arg0: i32, %arg1: i32, %arg2: memref<16384xi32, #tpu.memory_space<hbm>>, %arg3: memref<16384xi32, #tpu.memory_space<hbm>>, %arg4: memref<16384xi32, #tpu.memory_space<hbm>>, %arg5: memref<100001x64xf32, #tpu.memory_space<hbm>>, %arg6: memref<21x64xf32, #tpu.memory_space<hbm>>, %arg7: memref<301x64xf32, #tpu.memory_space<hbm>>, %arg8: memref<16384x192xf32, #tpu.memory_space<hbm>>, %arg9: memref<512xi32, #tpu.memory_space<vmem>>, %arg10: memref<512xi32, #tpu.memory_space<vmem>>, %arg11: memref<512xi32, #tpu.memory_space<vmem>>, %arg12: memref<512x64xf32, #tpu.memory_space<vmem>>, %arg13: memref<512x64xf32, #tpu.memory_space<vmem>>, %arg14: memref<512x64xf32, #tpu.memory_space<vmem>>, %arg15: memref<21x64xf32, #tpu.memory_space<vmem_shared>>, %arg16: memref<301x64xf32, #tpu.memory_space<vmem_shared>>, %arg17: memref<!tpu.dma_semaphore, #tpu.memory_space<semaphore_mem>>, %arg18: memref<!tpu.dma_semaphore, #tpu.memory_space<semaphore_mem>>, %arg19: memref<!tpu.dma_semaphore, #tpu.memory_space<semaphore_mem>>, %arg20: memref<!tpu.dma_semaphore, #tpu.memory_space<semaphore_mem>>, %arg21: memref<!tpu.dma_semaphore, #tpu.memory_space<semaphore_mem>>, %arg22: memref<!tpu.dma_semaphore, #tpu.memory_space<semaphore_mem>>, %arg23: memref<!tpu.dma_semaphore, #tpu.memory_space<semaphore_mem>>, %arg24: memref<!tpu.dma_semaphore, #tpu.memory_space<semaphore_mem>>, %arg25: memref<!tpu.dma_semaphore, #tpu.memory_space<semaphore_mem>>, %arg26: memref<!tpu.dma_semaphore, #tpu.memory_space<semaphore_mem>>) attributes {dimension_semantics = [#tpu.dimension_semantics<core_parallel>, #tpu.dimension_semantics<subcore_parallel>], iteration_bounds = array<i64: 2, 16>, scalar_prefetch = 0 : i64, scratch_operands = 18 : i64, tpu.core_type = #tpu.core_type<sc_vector_subcore>, window_params = [{transform_indices = #map}, {transform_indices = #map}, {transform_indices = #map}, {transform_indices = #map1}, {transform_indices = #map1}, {transform_indices = #map1}, {transform_indices = #map1}]} {
    %mul3A = arith.constant 2 : i32
    %mul3A_0 = arith.muli %arg1, %mul3A : i32
    %add3A = arith.addi %mul3A_0, %arg0 : i32
    %mul3A_1 = arith.constant 512 : i32
    %mul3A_2 = arith.muli %add3A, %mul3A_1 : i32
    %dma_start3A = tpu.memref_slice %arg2[%mul3A_2] : memref<16384xi32, #tpu.memory_space<hbm>> -> memref<512xi32, #tpu.memory_space<hbm>>
    %dma_start3A_3 = tpu.memref_slice %arg2[%mul3A_2] : memref<16384xi32, #tpu.memory_space<hbm>> -> memref<512xi32, #tpu.memory_space<hbm>>
    tpu.enqueue_dma source(%dma_start3A_3 : memref<512xi32, #tpu.memory_space<hbm>>) target(%arg9 : memref<512xi32, #tpu.memory_space<vmem>>) target_semaphore(%arg26 : memref<!tpu.dma_semaphore, #tpu.memory_space<semaphore_mem>>)
    %dma_start3A_4 = tpu.memref_slice %arg3[%mul3A_2] : memref<16384xi32, #tpu.memory_space<hbm>> -> memref<512xi32, #tpu.memory_space<hbm>>
    %dma_start3A_5 = tpu.memref_slice %arg3[%mul3A_2] : memref<16384xi32, #tpu.memory_space<hbm>> -> memref<512xi32, #tpu.memory_space<hbm>>
    tpu.enqueue_dma source(%dma_start3A_5 : memref<512xi32, #tpu.memory_space<hbm>>) target(%arg10 : memref<512xi32, #tpu.memory_space<vmem>>) target_semaphore(%arg26 : memref<!tpu.dma_semaphore, #tpu.memory_space<semaphore_mem>>)
    %dma_start3A_6 = tpu.memref_slice %arg4[%mul3A_2] : memref<16384xi32, #tpu.memory_space<hbm>> -> memref<512xi32, #tpu.memory_space<hbm>>
    %dma_start3A_7 = tpu.memref_slice %arg4[%mul3A_2] : memref<16384xi32, #tpu.memory_space<hbm>> -> memref<512xi32, #tpu.memory_space<hbm>>
    tpu.enqueue_dma source(%dma_start3A_7 : memref<512xi32, #tpu.memory_space<hbm>>) target(%arg11 : memref<512xi32, #tpu.memory_space<vmem>>) target_semaphore(%arg26 : memref<!tpu.dma_semaphore, #tpu.memory_space<semaphore_mem>>)
    %eq3A = arith.constant 0 : i32
    %eq3A_8 = arith.cmpi eq, %arg1, %eq3A : i32
    %convert_element_type3A = arith.extui %eq3A_8 : i1 to i32
    %cond3A = arith.constant 0 : i32
    %cond3A_9 = arith.cmpi ne, %convert_element_type3A, %cond3A : i32
    scf.if %cond3A_9 {
      "tpu.region"() ({
        %run_scoped3A = tpu.sem_alloc : memref<!tpu.dma_semaphore, #tpu.memory_space<semaphore_mem>>
        tpu.enqueue_dma source(%arg6 : memref<21x64xf32, #tpu.memory_space<hbm>>) target(%arg15 : memref<21x64xf32, #tpu.memory_space<vmem_shared>>) target_semaphore(%run_scoped3A : memref<!tpu.dma_semaphore, #tpu.memory_space<semaphore_mem>>)
        tpu.wait_dma2 semaphore(%run_scoped3A : memref<!tpu.dma_semaphore, #tpu.memory_space<semaphore_mem>>) src(%arg6 : memref<21x64xf32, #tpu.memory_space<hbm>>) dst(%arg15 : memref<21x64xf32, #tpu.memory_space<vmem_shared>>)
        tpu.yield
      }) : () -> ()
      "tpu.region"() ({
        %run_scoped3A = tpu.sem_alloc : memref<!tpu.dma_semaphore, #tpu.memory_space<semaphore_mem>>
        tpu.enqueue_dma source(%arg7 : memref<301x64xf32, #tpu.memory_space<hbm>>) target(%arg16 : memref<301x64xf32, #tpu.memory_space<vmem_shared>>) target_semaphore(%run_scoped3A : memref<!tpu.dma_semaphore, #tpu.memory_space<semaphore_mem>>)
        tpu.wait_dma2 semaphore(%run_scoped3A : memref<!tpu.dma_semaphore, #tpu.memory_space<semaphore_mem>>) src(%arg7 : memref<301x64xf32, #tpu.memory_space<hbm>>) dst(%arg16 : memref<301x64xf32, #tpu.memory_space<vmem_shared>>)
        tpu.yield
      }) : () -> ()
    } else {
    }
    %dma_wait3A = tpu.memref_slice %arg2[%mul3A_2] : memref<16384xi32, #tpu.memory_space<hbm>> -> memref<512xi32, #tpu.memory_space<hbm>>
    %dma_wait3A_10 = tpu.memref_slice %arg2[%mul3A_2] : memref<16384xi32, #tpu.memory_space<hbm>> -> memref<512xi32, #tpu.memory_space<hbm>>
    tpu.wait_dma2 semaphore(%arg26 : memref<!tpu.dma_semaphore, #tpu.memory_space<semaphore_mem>>) src(%dma_wait3A_10 : memref<512xi32, #tpu.memory_space<hbm>>) dst(%arg9 : memref<512xi32, #tpu.memory_space<vmem>>)
    %dma_start3A_11 = arith.constant 0 : i32
    %dma_start3A_12 = arith.constant 0 : i32
    %dma_start3A_13 = tpu.memref_slice %arg12[%dma_start3A_11, %dma_start3A_12] : memref<512x64xf32, #tpu.memory_space<vmem>> -> memref<128x64xf32, #tpu.memory_space<vmem>>
    %dma_start3A_14 = arith.constant 0 : i32
    %dma_start3A_15 = tpu.memref_slice %arg9[%dma_start3A_14] : memref<512xi32, #tpu.memory_space<vmem>> -> memref<128xi32, #tpu.memory_space<vmem>>
    %dma_start3A_16 = arith.constant 0 : i32
    %dma_start3A_17 = arith.constant 0 : i32
    %dma_start3A_18 = tpu.memref_slice %arg5[%dma_start3A_16, %dma_start3A_17] : memref<100001x64xf32, #tpu.memory_space<hbm>> -> memref<100001x64xf32, #tpu.memory_space<hbm>>
    tpu.enqueue_indirect_dma source(%dma_start3A_18 : memref<100001x64xf32, #tpu.memory_space<hbm>>) target(%dma_start3A_13 : memref<128x64xf32, #tpu.memory_space<vmem>>) offsets(%dma_start3A_15 : memref<128xi32, #tpu.memory_space<vmem>>) semaphore(%arg17 : memref<!tpu.dma_semaphore, #tpu.memory_space<semaphore_mem>>)
    %dma_start3A_19 = arith.constant 128 : i32
    %dma_start3A_20 = arith.constant 0 : i32
    %dma_start3A_21 = tpu.memref_slice %arg12[%dma_start3A_19, %dma_start3A_20] : memref<512x64xf32, #tpu.memory_space<vmem>> -> memref<128x64xf32, #tpu.memory_space<vmem>>
    %dma_start3A_22 = arith.constant 128 : i32
    %dma_start3A_23 = tpu.memref_slice %arg9[%dma_start3A_22] : memref<512xi32, #tpu.memory_space<vmem>> -> memref<128xi32, #tpu.memory_space<vmem>>
    %dma_start3A_24 = arith.constant 0 : i32
    %dma_start3A_25 = arith.constant 0 : i32
    %dma_start3A_26 = tpu.memref_slice %arg5[%dma_start3A_24, %dma_start3A_25] : memref<100001x64xf32, #tpu.memory_space<hbm>> -> memref<100001x64xf32, #tpu.memory_space<hbm>>
    tpu.enqueue_indirect_dma source(%dma_start3A_26 : memref<100001x64xf32, #tpu.memory_space<hbm>>) target(%dma_start3A_21 : memref<128x64xf32, #tpu.memory_space<vmem>>) offsets(%dma_start3A_23 : memref<128xi32, #tpu.memory_space<vmem>>) semaphore(%arg18 : memref<!tpu.dma_semaphore, #tpu.memory_space<semaphore_mem>>)
    %dma_start3A_27 = arith.constant 256 : i32
    %dma_start3A_28 = arith.constant 0 : i32
    %dma_start3A_29 = tpu.memref_slice %arg12[%dma_start3A_27, %dma_start3A_28] : memref<512x64xf32, #tpu.memory_space<vmem>> -> memref<128x64xf32, #tpu.memory_space<vmem>>
    %dma_start3A_30 = arith.constant 256 : i32
    %dma_start3A_31 = tpu.memref_slice %arg9[%dma_start3A_30] : memref<512xi32, #tpu.memory_space<vmem>> -> memref<128xi32, #tpu.memory_space<vmem>>
    %dma_start3A_32 = arith.constant 0 : i32
    %dma_start3A_33 = arith.constant 0 : i32
    %dma_start3A_34 = tpu.memref_slice %arg5[%dma_start3A_32, %dma_start3A_33] : memref<100001x64xf32, #tpu.memory_space<hbm>> -> memref<100001x64xf32, #tpu.memory_space<hbm>>
    tpu.enqueue_indirect_dma source(%dma_start3A_34 : memref<100001x64xf32, #tpu.memory_space<hbm>>) target(%dma_start3A_29 : memref<128x64xf32, #tpu.memory_space<vmem>>) offsets(%dma_start3A_31 : memref<128xi32, #tpu.memory_space<vmem>>) semaphore(%arg19 : memref<!tpu.dma_semaphore, #tpu.memory_space<semaphore_mem>>)
    %dma_start3A_35 = arith.constant 384 : i32
    %dma_start3A_36 = arith.constant 0 : i32
    %dma_start3A_37 = tpu.memref_slice %arg12[%dma_start3A_35, %dma_start3A_36] : memref<512x64xf32, #tpu.memory_space<vmem>> -> memref<128x64xf32, #tpu.memory_space<vmem>>
    %dma_start3A_38 = arith.constant 384 : i32
    %dma_start3A_39 = tpu.memref_slice %arg9[%dma_start3A_38] : memref<512xi32, #tpu.memory_space<vmem>> -> memref<128xi32, #tpu.memory_space<vmem>>
    %dma_start3A_40 = arith.constant 0 : i32
    %dma_start3A_41 = arith.constant 0 : i32
    %dma_start3A_42 = tpu.memref_slice %arg5[%dma_start3A_40, %dma_start3A_41] : memref<100001x64xf32, #tpu.memory_space<hbm>> -> memref<100001x64xf32, #tpu.memory_space<hbm>>
    tpu.enqueue_indirect_dma source(%dma_start3A_42 : memref<100001x64xf32, #tpu.memory_space<hbm>>) target(%dma_start3A_37 : memref<128x64xf32, #tpu.memory_space<vmem>>) offsets(%dma_start3A_39 : memref<128xi32, #tpu.memory_space<vmem>>) semaphore(%arg20 : memref<!tpu.dma_semaphore, #tpu.memory_space<semaphore_mem>>)
    %barrier3A = arith.constant 0 : index
    tpu.barrier barrier_id(%barrier3A)
    %dma_wait3A_43 = tpu.memref_slice %arg3[%mul3A_2] : memref<16384xi32, #tpu.memory_space<hbm>> -> memref<512xi32, #tpu.memory_space<hbm>>
    %dma_wait3A_44 = tpu.memref_slice %arg3[%mul3A_2] : memref<16384xi32, #tpu.memory_space<hbm>> -> memref<512xi32, #tpu.memory_space<hbm>>
    tpu.wait_dma2 semaphore(%arg26 : memref<!tpu.dma_semaphore, #tpu.memory_space<semaphore_mem>>) src(%dma_wait3A_44 : memref<512xi32, #tpu.memory_space<hbm>>) dst(%arg10 : memref<512xi32, #tpu.memory_space<vmem>>)
    %dma_wait3A_45 = tpu.memref_slice %arg4[%mul3A_2] : memref<16384xi32, #tpu.memory_space<hbm>> -> memref<512xi32, #tpu.memory_space<hbm>>
    %dma_wait3A_46 = tpu.memref_slice %arg4[%mul3A_2] : memref<16384xi32, #tpu.memory_space<hbm>> -> memref<512xi32, #tpu.memory_space<hbm>>
    tpu.wait_dma2 semaphore(%arg26 : memref<!tpu.dma_semaphore, #tpu.memory_space<semaphore_mem>>) src(%dma_wait3A_46 : memref<512xi32, #tpu.memory_space<hbm>>) dst(%arg11 : memref<512xi32, #tpu.memory_space<vmem>>)
    %dma_start3A_47 = arith.constant 0 : i32
    %dma_start3A_48 = arith.constant 0 : i32
    %dma_start3A_49 = tpu.memref_slice %arg15[%dma_start3A_47, %dma_start3A_48] : memref<21x64xf32, #tpu.memory_space<vmem_shared>> -> memref<21x64xf32, #tpu.memory_space<vmem_shared>>
    tpu.enqueue_indirect_dma source(%dma_start3A_49 : memref<21x64xf32, #tpu.memory_space<vmem_shared>>) target(%arg13 : memref<512x64xf32, #tpu.memory_space<vmem>>) offsets(%arg10 : memref<512xi32, #tpu.memory_space<vmem>>) semaphore(%arg21 : memref<!tpu.dma_semaphore, #tpu.memory_space<semaphore_mem>>)
    %dma_start3A_50 = arith.constant 0 : i32
    %dma_start3A_51 = arith.constant 0 : i32
    %dma_start3A_52 = tpu.memref_slice %arg16[%dma_start3A_50, %dma_start3A_51] : memref<301x64xf32, #tpu.memory_space<vmem_shared>> -> memref<301x64xf32, #tpu.memory_space<vmem_shared>>
    tpu.enqueue_indirect_dma source(%dma_start3A_52 : memref<301x64xf32, #tpu.memory_space<vmem_shared>>) target(%arg14 : memref<512x64xf32, #tpu.memory_space<vmem>>) offsets(%arg11 : memref<512xi32, #tpu.memory_space<vmem>>) semaphore(%arg22 : memref<!tpu.dma_semaphore, #tpu.memory_space<semaphore_mem>>)
    %dma_wait3A_53 = arith.constant 0 : i32
    %dma_wait3A_54 = arith.constant 0 : i32
    %dma_wait3A_55 = tpu.memref_slice %arg15[%dma_wait3A_53, %dma_wait3A_54] : memref<21x64xf32, #tpu.memory_space<vmem_shared>> -> memref<21x64xf32, #tpu.memory_space<vmem_shared>>
    tpu.wait_indirect_dma semaphore(%arg21 : memref<!tpu.dma_semaphore, #tpu.memory_space<semaphore_mem>>) src(%dma_wait3A_55 : memref<21x64xf32, #tpu.memory_space<vmem_shared>>) dst(%arg13 : memref<512x64xf32, #tpu.memory_space<vmem>>)
    %dma_start3A_56 = arith.constant 64 : i32
    %dma_start3A_57 = tpu.memref_slice %arg8[%mul3A_2, %dma_start3A_56] : memref<16384x192xf32, #tpu.memory_space<hbm>> -> memref<512x64xf32, #tpu.memory_space<hbm>>
    %dma_start3A_58 = arith.constant 64 : i32
    %dma_start3A_59 = tpu.memref_slice %arg8[%mul3A_2, %dma_start3A_58] : memref<16384x192xf32, #tpu.memory_space<hbm>> -> memref<512x64xf32, #tpu.memory_space<hbm>>
    tpu.enqueue_dma source(%arg13 : memref<512x64xf32, #tpu.memory_space<vmem>>) target(%dma_start3A_59 : memref<512x64xf32, #tpu.memory_space<hbm>>) target_semaphore(%arg24 : memref<!tpu.dma_semaphore, #tpu.memory_space<semaphore_mem>>)
    %dma_wait3A_60 = arith.constant 0 : i32
    %dma_wait3A_61 = arith.constant 0 : i32
    %dma_wait3A_62 = tpu.memref_slice %arg16[%dma_wait3A_60, %dma_wait3A_61] : memref<301x64xf32, #tpu.memory_space<vmem_shared>> -> memref<301x64xf32, #tpu.memory_space<vmem_shared>>
    tpu.wait_indirect_dma semaphore(%arg22 : memref<!tpu.dma_semaphore, #tpu.memory_space<semaphore_mem>>) src(%dma_wait3A_62 : memref<301x64xf32, #tpu.memory_space<vmem_shared>>) dst(%arg14 : memref<512x64xf32, #tpu.memory_space<vmem>>)
    %dma_start3A_63 = arith.constant 128 : i32
    %dma_start3A_64 = tpu.memref_slice %arg8[%mul3A_2, %dma_start3A_63] : memref<16384x192xf32, #tpu.memory_space<hbm>> -> memref<512x64xf32, #tpu.memory_space<hbm>>
    %dma_start3A_65 = arith.constant 128 : i32
    %dma_start3A_66 = tpu.memref_slice %arg8[%mul3A_2, %dma_start3A_65] : memref<16384x192xf32, #tpu.memory_space<hbm>> -> memref<512x64xf32, #tpu.memory_space<hbm>>
    tpu.enqueue_dma source(%arg14 : memref<512x64xf32, #tpu.memory_space<vmem>>) target(%dma_start3A_66 : memref<512x64xf32, #tpu.memory_space<hbm>>) target_semaphore(%arg25 : memref<!tpu.dma_semaphore, #tpu.memory_space<semaphore_mem>>)
    %dma_wait3A_67 = arith.constant 0 : i32
    %dma_wait3A_68 = arith.constant 0 : i32
    %dma_wait3A_69 = tpu.memref_slice %arg12[%dma_wait3A_67, %dma_wait3A_68] : memref<512x64xf32, #tpu.memory_space<vmem>> -> memref<128x64xf32, #tpu.memory_space<vmem>>
    %dma_wait3A_70 = arith.constant 0 : i32
    %dma_wait3A_71 = tpu.memref_slice %arg9[%dma_wait3A_70] : memref<512xi32, #tpu.memory_space<vmem>> -> memref<128xi32, #tpu.memory_space<vmem>>
    %dma_wait3A_72 = arith.constant 0 : i32
    %dma_wait3A_73 = arith.constant 0 : i32
    %dma_wait3A_74 = tpu.memref_slice %arg5[%dma_wait3A_72, %dma_wait3A_73] : memref<100001x64xf32, #tpu.memory_space<hbm>> -> memref<100001x64xf32, #tpu.memory_space<hbm>>
    tpu.wait_indirect_dma semaphore(%arg17 : memref<!tpu.dma_semaphore, #tpu.memory_space<semaphore_mem>>) src(%dma_wait3A_74 : memref<100001x64xf32, #tpu.memory_space<hbm>>) dst(%dma_wait3A_69 : memref<128x64xf32, #tpu.memory_space<vmem>>)
    %dma_wait3A_75 = arith.constant 128 : i32
    %dma_wait3A_76 = arith.constant 0 : i32
    %dma_wait3A_77 = tpu.memref_slice %arg12[%dma_wait3A_75, %dma_wait3A_76] : memref<512x64xf32, #tpu.memory_space<vmem>> -> memref<128x64xf32, #tpu.memory_space<vmem>>
    %dma_wait3A_78 = arith.constant 128 : i32
    %dma_wait3A_79 = tpu.memref_slice %arg9[%dma_wait3A_78] : memref<512xi32, #tpu.memory_space<vmem>> -> memref<128xi32, #tpu.memory_space<vmem>>
    %dma_wait3A_80 = arith.constant 0 : i32
    %dma_wait3A_81 = arith.constant 0 : i32
    %dma_wait3A_82 = tpu.memref_slice %arg5[%dma_wait3A_80, %dma_wait3A_81] : memref<100001x64xf32, #tpu.memory_space<hbm>> -> memref<100001x64xf32, #tpu.memory_space<hbm>>
    tpu.wait_indirect_dma semaphore(%arg18 : memref<!tpu.dma_semaphore, #tpu.memory_space<semaphore_mem>>) src(%dma_wait3A_82 : memref<100001x64xf32, #tpu.memory_space<hbm>>) dst(%dma_wait3A_77 : memref<128x64xf32, #tpu.memory_space<vmem>>)
    %dma_wait3A_83 = arith.constant 256 : i32
    %dma_wait3A_84 = arith.constant 0 : i32
    %dma_wait3A_85 = tpu.memref_slice %arg12[%dma_wait3A_83, %dma_wait3A_84] : memref<512x64xf32, #tpu.memory_space<vmem>> -> memref<128x64xf32, #tpu.memory_space<vmem>>
    %dma_wait3A_86 = arith.constant 256 : i32
    %dma_wait3A_87 = tpu.memref_slice %arg9[%dma_wait3A_86] : memref<512xi32, #tpu.memory_space<vmem>> -> memref<128xi32, #tpu.memory_space<vmem>>
    %dma_wait3A_88 = arith.constant 0 : i32
    %dma_wait3A_89 = arith.constant 0 : i32
    %dma_wait3A_90 = tpu.memref_slice %arg5[%dma_wait3A_88, %dma_wait3A_89] : memref<100001x64xf32, #tpu.memory_space<hbm>> -> memref<100001x64xf32, #tpu.memory_space<hbm>>
    tpu.wait_indirect_dma semaphore(%arg19 : memref<!tpu.dma_semaphore, #tpu.memory_space<semaphore_mem>>) src(%dma_wait3A_90 : memref<100001x64xf32, #tpu.memory_space<hbm>>) dst(%dma_wait3A_85 : memref<128x64xf32, #tpu.memory_space<vmem>>)
    %dma_wait3A_91 = arith.constant 384 : i32
    %dma_wait3A_92 = arith.constant 0 : i32
    %dma_wait3A_93 = tpu.memref_slice %arg12[%dma_wait3A_91, %dma_wait3A_92] : memref<512x64xf32, #tpu.memory_space<vmem>> -> memref<128x64xf32, #tpu.memory_space<vmem>>
    %dma_wait3A_94 = arith.constant 384 : i32
    %dma_wait3A_95 = tpu.memref_slice %arg9[%dma_wait3A_94] : memref<512xi32, #tpu.memory_space<vmem>> -> memref<128xi32, #tpu.memory_space<vmem>>
    %dma_wait3A_96 = arith.constant 0 : i32
    %dma_wait3A_97 = arith.constant 0 : i32
    %dma_wait3A_98 = tpu.memref_slice %arg5[%dma_wait3A_96, %dma_wait3A_97] : memref<100001x64xf32, #tpu.memory_space<hbm>> -> memref<100001x64xf32, #tpu.memory_space<hbm>>
    tpu.wait_indirect_dma semaphore(%arg20 : memref<!tpu.dma_semaphore, #tpu.memory_space<semaphore_mem>>) src(%dma_wait3A_98 : memref<100001x64xf32, #tpu.memory_space<hbm>>) dst(%dma_wait3A_93 : memref<128x64xf32, #tpu.memory_space<vmem>>)
    %dma_start3A_99 = arith.constant 0 : i32
    %dma_start3A_100 = tpu.memref_slice %arg8[%mul3A_2, %dma_start3A_99] : memref<16384x192xf32, #tpu.memory_space<hbm>> -> memref<512x64xf32, #tpu.memory_space<hbm>>
    %dma_start3A_101 = arith.constant 0 : i32
    %dma_start3A_102 = tpu.memref_slice %arg8[%mul3A_2, %dma_start3A_101] : memref<16384x192xf32, #tpu.memory_space<hbm>> -> memref<512x64xf32, #tpu.memory_space<hbm>>
    tpu.enqueue_dma source(%arg12 : memref<512x64xf32, #tpu.memory_space<vmem>>) target(%dma_start3A_102 : memref<512x64xf32, #tpu.memory_space<hbm>>) target_semaphore(%arg23 : memref<!tpu.dma_semaphore, #tpu.memory_space<semaphore_mem>>)
    %dma_wait3A_103 = arith.constant 64 : i32
    %dma_wait3A_104 = tpu.memref_slice %arg8[%mul3A_2, %dma_wait3A_103] : memref<16384x192xf32, #tpu.memory_space<hbm>> -> memref<512x64xf32, #tpu.memory_space<hbm>>
    %dma_wait3A_105 = arith.constant 64 : i32
    %dma_wait3A_106 = tpu.memref_slice %arg8[%mul3A_2, %dma_wait3A_105] : memref<16384x192xf32, #tpu.memory_space<hbm>> -> memref<512x64xf32, #tpu.memory_space<hbm>>
    tpu.wait_dma2 semaphore(%arg24 : memref<!tpu.dma_semaphore, #tpu.memory_space<semaphore_mem>>) src(%arg13 : memref<512x64xf32, #tpu.memory_space<vmem>>) dst(%dma_wait3A_106 : memref<512x64xf32, #tpu.memory_space<hbm>>)
    %dma_wait3A_107 = arith.constant 128 : i32
    %dma_wait3A_108 = tpu.memref_slice %arg8[%mul3A_2, %dma_wait3A_107] : memref<16384x192xf32, #tpu.memory_space<hbm>> -> memref<512x64xf32, #tpu.memory_space<hbm>>
    %dma_wait3A_109 = arith.constant 128 : i32
    %dma_wait3A_110 = tpu.memref_slice %arg8[%mul3A_2, %dma_wait3A_109] : memref<16384x192xf32, #tpu.memory_space<hbm>> -> memref<512x64xf32, #tpu.memory_space<hbm>>
    tpu.wait_dma2 semaphore(%arg25 : memref<!tpu.dma_semaphore, #tpu.memory_space<semaphore_mem>>) src(%arg14 : memref<512x64xf32, #tpu.memory_space<vmem>>) dst(%dma_wait3A_110 : memref<512x64xf32, #tpu.memory_space<hbm>>)
    %dma_wait3A_111 = arith.constant 0 : i32
    %dma_wait3A_112 = tpu.memref_slice %arg8[%mul3A_2, %dma_wait3A_111] : memref<16384x192xf32, #tpu.memory_space<hbm>> -> memref<512x64xf32, #tpu.memory_space<hbm>>
    %dma_wait3A_113 = arith.constant 0 : i32
    %dma_wait3A_114 = tpu.memref_slice %arg8[%mul3A_2, %dma_wait3A_113] : memref<16384x192xf32, #tpu.memory_space<hbm>> -> memref<512x64xf32, #tpu.memory_space<hbm>>
    tpu.wait_dma2 semaphore(%arg23 : memref<!tpu.dma_semaphore, #tpu.memory_space<semaphore_mem>>) src(%arg12 : memref<512x64xf32, #tpu.memory_space<vmem>>) dst(%dma_wait3A_114 : memref<512x64xf32, #tpu.memory_space<hbm>>)
    return
  }
}

</mosaic_0001>

<sc_bundles>
// kernel: kernel.3.cloned.1.call-start
scs
__scs_entry_jumppad:
0x0: {  	(pc) =	sbr.rel $0x88, $3  }
0x1: {  	(tag) =	ssettag $0x0;
	lr =	simm.s32 $0x1  }
0x2: {  	[smem:$0x3F9B] =	sst lr;
	_ =	strace $0xD0000000  }
0x3: {  	_ = 	snop  }
0x4: {  	_ = 	snop  }
0x5: {  	_ = 	snop  }
0x6: {  	_ = 	snop  }
0x7: {  	_ = 	snop  }
__scs_overlays_trampoline_lowered:
0x8: {  	[smem:$0x3FAA] =	sst s0  }
0x9: {  	[smem:$0x3FAB] =	sst s1  }
0xa: {  	[smem:$0x3FAC] =	sst s2  }
0xb: {  	[smem:$0x3FAD] =	sst s3  }
0xc: {  	[smem:$0x3FAE] =	sst s4  }
0xd: {  	[smem:$0x3FAF] =	sst s5  }
0xe: {  	[smem:$0x3FB0] =	sst s6  }
0xf: {  	[smem:$0x3FB1] =	sst s7  }
0x10: {  	[smem:$0x3FB2] =	sst s8  }
0x11: {  	[smem:$0x3FB3] =	sst s9;
	s0 =	simm.s32 @!p0 $0x0  }
0x12: {  	s1 =	sld [smem:$0x3F99];
	s0 =	simm.s32 @p0 $0x1  }
0x13: {  	[smem:$0x3FB4] =	sst s0;
	s0 =	simm.s32 @!p1 $0x0  }
0x14: {  	s2 =	sld [smem:$0x3F98];
	s0 =	simm.s32 @p1 $0x1  }
0x15: {  	[smem:$0x3FB5] =	sst s0;
	s0 =	simm.s32 @!p2 $0x0  }
0x16: {  	s3 =	sld [smem:$0x3FDB];
	s0 =	simm.s32 @p2 $0x1  }
0x17: {  	s4 =	simm.s32 $0x1BF5;
	[smem:$0x3FB7] =	sst s0  }
0x18: {  	s0 =	sld [smem:$0x3F9A];
	_ =	swait.ge [sflag:s4], $0x0  }
0x19: {  	s7 =	sld [smem:$0x3F9B]  }
0x1a: {  	s8 =	sadd.s32 $0xFFFFE003, lr  }
0x1b: {  	s9 =	sadd.s32 $0xFFFFFEF7, lr;
	s5 =	simm.s32 $0xFFFFFFFF;
	p2 =	slt.u32 s8, $0xFFFFF086  }
0x1c: {  	p1 =	slt.u32 s9, $0xF7A;
	s5 =	simm.s32 @!p2 $0x0  }
0x1d: {  	s5 =	simm.s32 @p1 $0x1;
	p0 =	seq.s32 s7, s2  }
0x1e: {  	s7 =	smul.u32 @!p0 $0xF7A, s2;
	p2 =	seq.s32 @!p0 s5, $0x0  }
0x1f: {  	s9 =	smul.u32 $0xF7A, s1;
	s8 =	simm.s32 @!p0 $0x1BF5;
	p2 =	por !p2, p0  }
0x20: {  	[sflag:s8] =	ssyncset.s32 @!p0 $0xFFFFF086;
	s6 =	sadd.s32 @!p0 s3, s7;
	s7 =	simm.s32 @!p0 $0x108  }
0x21: {  	s3 =	sadd.s32 s3, s9;
	s6 =	sadd.s32 @!p0 $0x88, s6;
	s7 =	simm.s32 @p2 $0x1082  }
0x22: {  	[simem:s7], [sflag:s8] =	dma.local @!p0 [hbm:s6], $0xF7A  }
0x23: {  	s9 =	sor.u32 $0xD0000000, s2;
	s6 =	simm.s32 $0x108;
	_ =	swait.ge @!p0 [sflag:s8], $0x0  }
0x24: {  	s3 =	sadd.s32 $0x88, s3;
	s6 =	simm.s32 @!p1 $0x1082;
	[sflag:s4] =	ssyncset.s32 $0xFFFFF086  }
0x25: {  	[simem:s6], [sflag:s4] =	dma.local [hbm:s3], $0xF7A  }
0x26: {  	[smem:$0x3F9B] =	sst s1;
	(tag) =	ssettag s2;
	_ =	strace s9  }
0x27: {  	s1 =	sld [smem:$0x3FAB]  }
0x28: {  	s2 =	sld [smem:$0x3FAC]  }
0x29: {  	s4 =	sld [smem:$0x3FAE]  }
0x2a: {  	p0 =	seq.s32 s5, $0x0;
	s5 =	sld [smem:$0x3FAF]  }
0x2b: {  	s6 =	sld [smem:$0x3FB0]  }
0x2c: {  	s7 =	sld [smem:$0x3FB1]  }
0x2d: {  	s3 =	simm.s32 $0x108;
	s8 =	sld [smem:$0x3FB2]  }
0x2e: {  	s3 =	simm.s32 @!p0 $0x1082;
	s9 =	sld [smem:$0x3FB3]  }
0x2f: {  	lr =	sadd.s32 s0, s3;
	s0 =	sld [smem:$0x3FAA]  }
0x30: {  	s3 =	sld [smem:$0x3FAD]  }
0x31: {  	[smem:$0x3FB6] =	sst s10  }
0x32: {  	s10 =	sld [smem:$0x3FB4];
	_ =	sdelay $0x3  }
0x33: {  	p0 =	seq.s32 s10, $0x1;
	s10 =	sld [smem:$0x3FB6];
	_ =	sdelay $0x3  }
0x34: {  	[smem:$0x3FB6] =	sst s10  }
0x35: {  	s10 =	sld [smem:$0x3FB5];
	_ =	sdelay $0x3  }
0x36: {  	p1 =	seq.s32 s10, $0x1;
	s10 =	sld [smem:$0x3FB6];
	_ =	sdelay $0x3  }
0x37: {  	[smem:$0x3FB6] =	sst s10  }
0x38: {  	s10 =	sld [smem:$0x3FB7]  }
0x39: {  	_ = 	snop;
	(pc) =	sbr.ind lr, $3  }
0x3a: {  	_ = 	snop  }
0x3b: {  	_ = 	snop  }
0x3c: {  	p2 =	seq.s32 s10, $0x1;
	s10 =	sld [smem:$0x3FB6]  }
0x3d: {  	_ =	shalt  }
0x3e: {  	_ =	shalt  }
0x3f: {  	_ =	shalt  }
0x40: {  	_ =	shalt  }
0x41: {  	_ =	shalt  }
0x42: {  	_ =	shalt  }
0x43: {  	_ =	shalt  }
0x44: {  	_ =	shalt  }
0x45: {  	_ =	shalt  }
0x46: {  	_ =	shalt  }
0x47: {  	_ =	shalt  }
0x48: {  	_ =	shalt  }
0x49: {  	_ =	shalt  }
0x4a: {  	_ =	shalt  }
0x4b: {  	_ =	shalt  }
0x4c: {  	_ =	shalt  }
0x4d: {  	_ =	shalt  }
0x4e: {  	_ =	shalt  }
0x4f: {  	_ =	shalt  }
0x50: {  	_ =	shalt  }
0x51: {  	_ =	shalt  }
0x52: {  	_ =	shalt  }
0x53: {  	_ =	shalt  }
0x54: {  	_ =	shalt  }
0x55: {  	_ =	shalt  }
0x56: {  	_ =	shalt  }
0x57: {  	_ =	shalt  }
0x58: {  	_ =	shalt  }
0x59: {  	_ =	shalt  }
0x5a: {  	_ =	shalt  }
0x5b: {  	_ =	shalt  }
0x5c: {  	_ =	shalt  }
0x5d: {  	_ =	shalt  }
0x5e: {  	_ =	shalt  }
0x5f: {  	_ =	shalt  }
0x60: {  	_ =	shalt  }
0x61: {  	_ =	shalt  }
0x62: {  	_ =	shalt  }
0x63: {  	_ =	shalt  }
0x64: {  	_ =	shalt  }
0x65: {  	_ =	shalt  }
0x66: {  	_ =	shalt  }
0x67: {  	_ =	shalt  }
0x68: {  	_ =	shalt  }
0x69: {  	_ =	shalt  }
0x6a: {  	_ =	shalt  }
0x6b: {  	_ =	shalt  }
0x6c: {  	_ =	shalt  }
0x6d: {  	_ =	shalt  }
0x6e: {  	_ =	shalt  }
0x6f: {  	_ =	shalt  }
0x70: {  	_ =	shalt  }
0x71: {  	_ =	shalt  }
0x72: {  	_ =	shalt  }
0x73: {  	_ =	shalt  }
0x74: {  	_ =	shalt  }
0x75: {  	_ =	shalt  }
0x76: {  	_ =	shalt  }
0x77: {  	_ =	shalt  }
0x78: {  	_ =	shalt  }
0x79: {  	_ =	shalt  }
0x7a: {  	_ =	shalt  }
0x7b: {  	_ =	shalt  }
0x7c: {  	_ =	shalt  }
0x7d: {  	_ =	shalt  }
0x7e: {  	_ =	shalt  }
0x7f: {  	_ =	shalt  }
0x80: {  	_ =	shalt  }
0x81: {  	_ =	shalt  }
0x82: {  	_ =	shalt  }
0x83: {  	_ =	shalt  }
0x84: {  	_ =	shalt  }
0x85: {  	_ =	shalt  }
0x86: {  	_ =	shalt  }
0x87: {  	_ =	shalt  }
.Lfunc_end0:
.L_simem_size_0:
called_computation_lowered:
.L_overlay_start_0:
0x88: {  	s2 =	sld [smem:$0x3FD9]  }
0x89: {  	s3 =	sld [smem:$0x3FFE];
	_ =	sdelay $0x1  }
0x8a: {  	s1 =	srdreg.scid  }
0x8b: {  	s0 =	sand.u32 $0x1, s1  }
0x8c: {  	s17 =	sshll.u32 s0, $0xA;
	s2 =	sadd.s32 s3, s2  }
0x8d: {  	s2 =	sadd.s32 s2, s17  }
0x8e: {  	[smem:$0x3FC2] =	sst s2  }
0x8f: {  	_ = 	snop  }
0x90: {  	s2 =	sld [smem:$0x3FC9]  }
0x91: {  	s18 =	sld [smem:$0x3FC8]  }
0x92: {  	s4 =	sld [smem:$0x3FC7]  }
0x93: {  	s5 =	sld [smem:$0x3FD0];
	(tm) =	ssettm $0x1  }
0x94: {  	s6 =	sld [smem:$0x3FFB];
	_ =	sdelay $0x3  }
0x95: {  	_ =	strace s6  }
0x96: {  	s6 =	sld [smem:$0x3FFC];
	_ =	sdelay $0x3  }
0x97: {  	_ =	strace s6  }
0x98: {  	s6 =	sld [smem:$0x3FFD];
	_ =	sdelay $0x3  }
0x99: {  	_ =	strace s6  }
0x9a: {  	_ =	strace $0x8FFFFFFF  }
0x9b: {  	s19 =	sld [smem:$0x3FDB];
	_ =	sdelay $0x1  }
0x9c: {  	s7 =	simm.s32 $_scs_section_size  }
0x9d: {  	s8 =	simm.s32 $_size__tile_overlayer_lowered;
	s9 =	simm.s32 $_tile_overlayer_lowered  }
0x9e: {  	s22 =	simm.s32 $0x1BFF;
	s21 =	sshll.u32 s9, $0x1;
	s6 =	sadd.s32 s7, s19  }
0x9f: {  	s10 =	simm.s32 $0x0;
	s20 =	sshll.u32 s8, $0x1;
	s8 =	sadd.s32 s21, s6  }
0xa0: {  	[timem:s10], [sflag:s22] =	dma.local [hbm:s8], s20  }
0xa1: {  	_ =	swait.ge [sflag:s22], s20  }
0xa2: {  	s7 =	ssub.s32 $0x0, s20;
	[sflag:s22] =	ssyncset.done $0x0  }
0xa3: {  	[sflag:s22] =	ssyncadd.s32 s7;
	_ =	sdelay $0x1  }
0xa4: {  	s23 =	simm.s32 $0x1B8B  }
0xa5: {  	_ =	swait.ge [sflag:s23], $0x1  }
0xa6: {  	[sflag:s23] =	ssyncset.done $0x0  }
0xa7: {  	s25 =	simm.s32 $0x1B8E;
	s24 =	sld [smem:$0x3FFE];
	[sflag:s23] =	ssyncadd.s32 $0xFFFFFFFF  }
0xa8: {  	s26 =	simm.s32 $execute0_lowered;
	[smem:$0x3FD2] =	sst s25  }
0xa9: {  	s8 =	sshll.u32 s26, $0x1;
	_ =	strace $0x80000046;
	[dreg:$0x1] =	wrdreg $0xFFFFFFFF  }
0xaa: {  	s28 =	simm.s32 $_size_execute0_lowered;
	s6 =	sadd.s32 s6, s8;
	[dreg:$0x0] =	wrdreg $0x0  }
0xab: {  	s8 =	sshll.u32 s28, $0x1;
	[dreg:$0x2] =	wrdreg s6  }
0xac: {  	[dreg:$0x3] =	wrdreg s8  }
0xad: {  	[dreg:$0x4] =	wrdreg $0xC0  }
0xae: {  	_ =	task [dreg:s10], $0x5FFFF  }
0xaf: {  	[dreg:$0x1] =	wrdreg $0xFFFFFFFF  }
0xb0: {  	[dreg:$0x0] =	wrdreg $0x60  }
0xb1: {  	[dreg:$0x2] =	wrdreg s2  }
0xb2: {  	[dreg:$0x3] =	wrdreg s18  }
0xb3: {  	[dreg:$0x4] =	wrdreg s4  }
0xb4: {  	[dreg:$0x5] =	wrdreg s24  }
0xb5: {  	[dreg:$0x6] =	wrdreg s5  }
0xb6: {  	[dreg:$0x7] =	wrdreg $0x186000  }
0xb7: {  	[dreg:$0x8] =	wrdreg $0x186580  }
0xb8: {  	[dreg:$0x9] =	wrdreg $0x9  }
0xb9: {  	_ =	task.clear_ibuf [dreg:s10], $0xAFFFF;
	_ =	strace $0x90000046  }
0xba: {  	s29 =	simm.s32 $0x9;
	_ =	strace $0x80000048  }
0xbb: {  	_ =	swait.ge [sflag:s29], $0x1  }
0xbc: {  	[sflag:s29] =	ssyncadd.s32 $0xFFFFFFFF  }
0xbd: {  	_ =	strace $0x90000048  }
0xbe: {  	_ =	sfence  }
0xbf: {  	s30 =	sld [smem:$0x0];
	_ =	sdelay $0x2  }
0xc0: {  	s31 =	sshll.u32 s1, $0xD;
	s1 =	sshrl.u32 s1, $0x2  }
0xc1: {  	s3 =	sand.u32 $0x4000, s31;
	s1 =	sadd.s32 s1, s30  }
0xc2: {  	s0 =	sor.u32 s3, s0;
	s1 =	sshll.u32 s1, $0x11  }
0xc3: {  	s0 =	sor.u32 s1, s0  }
0xc4: {  	s0 =	sadd.s32 $0x8F2B, s0  }
0xc5: {  	[sflag:s0] =	ssyncadd.remote.s32 $0x1  }
0xc6: {  	_ =	sfence.sel $0xFFFF  }
0xc7: {  	[dreg:$0x0] =	wrdreg $0xFFFFFFFF;
	(pc) =	sbr.abs _section_cstart, $3  }
0xc8: {  	[dreg:$0x1] =	wrdreg $0xFFFFFFFF  }
0xc9: {  	_ =	task.clear_ibuf [dreg:s10], $0x2FFFF;
	_ =	strace $0x9FFFFFFF  }
0xca: {  	(tm) =	ssettm $0x7FFFFFFF  }
0xcb: {  	_ =	shalt  }
tec
execute0_lowered:
.L_overlay_start_1:
0x0: {  	(tag) =	ssettag $0x1  }
0x1: {  	s4 =	rddreg [dreg:$0x0]  }
0x2: {  	s5 =	rddreg [dreg:$0x1]  }
0x3: {  	s6 =	rddreg [dreg:$0x2]  }
0x4: {  	s10 =	rddreg [dreg:$0x3]  }
0x5: {  	s7 =	rddreg [dreg:$0x4]  }
0x6: {  	s0 =	rddreg [dreg:$0x5]  }
0x7: {  	s1 =	rddreg [dreg:$0x6];
	s8 =	srdreg.scid;
	s3 =	simm.s32 $0x0  }
0x8: {  	s9 =	stileid.u32;
	s29 =	sand.u32 $0x1, s8;
	[smem:$0x7FF] =	sst s3  }
0x9: {  	s13 =	sshll.u32 s9, $0xA;
	s12 =	sadd.s32 $0x1200, s10;
	s14 =	sadd.s32 $0x800, s10  }
0xa: {  	s11 =	sshll.u32 s29, $0x9;
	_ =	strace $0x80000047;
	[dreg:$0x8] =	wrdreg s12  }
0xb: {  	s22 =	simm.s32 $0x2600;
	[dreg:$0x9] =	wrdreg s14;
	s8 =	sor.u32 s11, s13  }
0xc: {  	[dreg:$0x11] =	wrdreg s22;
	s15 =	sshrl.u32 s8, $0x3  }
0xd: {  	s11 =	rddreg [dreg:$0x8];
	s4 =	sadd.s32 s4, s15  }
0xe: {  	s16 =	sadd.s32 s5, s15;
	[dreg:$0xa] =	wrdreg s4  }
0xf: {  	p0 =	sne.s32 s9, $0x0;
	s17 =	sadd.s32 s6, s15;
	[dreg:$0xb] =	wrdreg s16  }
0x10: {  	s5 =	sshrl.u32 @!p0 s0, $0x3;
	[dreg:$0xc] =	wrdreg s17  }
0x11: {  	[dreg:$0xf] =	wrdreg s5;
	s5 =	sshrl.u32 @!p0 s1, $0x3  }
0x12: {  	[dreg:$0x10] =	wrdreg s5  }
0x13: {  	s8 =	smul.u32 $0x18, s8;
	s9 =	rddreg [dreg:$0xf]  }
0x14: {  	s20 =	rddreg [dreg:$0xa]  }
0x15: {  	s4 =	sadd.s32 s7, s8;
	s21 =	rddreg [dreg:$0xb]  }
0x16: {  	s6 =	simm.s32 $0x400;
	s18 =	sadd.s32 $0x8, s4;
	s23 =	rddreg [dreg:$0xc]  }
0x17: {  	[tilespmem:s3], [sflag:$0xA] =	stream.linear.gather [hbm4b:s20+s3], $0x200, $0x38;
	[tilespmem:$0x18B10] =	vst v63  }
0x18: {  	s19 =	sadd.s32 $0x10, s4;
	s5 =	simm.s32 $0x200;
	[dreg:$0xd] =	wrdreg s18  }
0x19: {  	[tilespmem:s5], [sflag:$0xA] =	stream.linear.gather [hbm4b:s21+s3], $0x200, $0x38;
	[tilespmem:$0x18B10] =	vst v63  }
0x1a: {  	s7 =	simm.s32 @!p0 $0x1C0B;
	s8 =	simm.s32 @!p0 $0xB;
	[dreg:$0xe] =	wrdreg s19  }
0x1b: {  	[tilespmem:s6], [sflag:$0xA] =	stream.linear.gather [hbm4b:s23+s3], $0x200, $0x38;
	[tilespmem:$0x18B10] =	vst v63  }
0x1c: {  	[spmem:s9], [sflag:s7] =	dma.local @!p0 [hbm:s11], $0xA8  }
0x1d: {  	_ =	swait.ge @!p0 [sflag:s8], $0xA8  }
0x1e: {  	s9 =	rddreg [dreg:$0x9];
	[sflag:s8] =	ssyncset.done @!p0 $0x0  }
0x1f: {  	s11 =	rddreg [dreg:$0x10];
	[sflag:s8] =	ssyncadd.s32 @!p0 $0xFFFFFF58  }
0x20: {  	[spmem:s11], [sflag:s7] =	dma.local @!p0 [hbm:s9], $0x968  }
0x21: {  	_ =	swait.ge @!p0 [sflag:s8], $0x968  }
0x22: {  	[sflag:s8] =	ssyncset.done @!p0 $0x0  }
0x23: {  	s9 =	simm.s32 $0xA;
	[sflag:s8] =	ssyncadd.s32 @!p0 $0xFFFFF698  }
0x24: {  	_ =	swait.ge [sflag:s9], $0x200  }
0x25: {  	s10 =	sadd.s32 $0x187400, s10;
	[sflag:s9] =	ssyncset.done $0x0  }
0x26: {  	s12 =	simm.s32 $0x600;
	s11 =	simm.s32 $0x80;
	[sflag:s9] =	ssyncadd.s32 $0xFFFFFE00  }
0x27: {  	[tilespmem:s12], [sflag:$0x1] =	stream.indirect.gather [hbm4b:s10+s11], $0x40, s3, s11, $0xb8;
	[tilespmem:$0x18B10] =	vst v63  }
0x28: {  	s13 =	rddreg [dreg:$0x11]  }
0x29: {  	[tilespmem:s13], [sflag:$0x2] =	stream.indirect.gather [hbm4b:s10+s11], $0x40, s11, s11, $0xb8;
	[tilespmem:$0x18B10] =	vst v63  }
0x2a: {  	s2 =	simm.s32 $0x100;
	s24 =	simm.s32 $0x4600  }
0x2b: {  	[tilespmem:s24], [sflag:$0x3] =	stream.indirect.gather [hbm4b:s10+s11], $0x40, s2, s11, $0xb8;
	[tilespmem:$0x18B10] =	vst v63  }
0x2c: {  	s25 =	simm.s32 $0x180;
	s26 =	simm.s32 $0x6600  }
0x2d: {  	[tilespmem:s26], [sflag:$0x4] =	stream.indirect.gather [hbm4b:s10+s11], $0x40, s25, s11, $0xb8;
	[tilespmem:$0x18B10] =	vst v63  }
0x2e: {  	[bflag:$0x0] =	sbarrier.arrive $0xFFFF  }
0x2f: {  	_ =	swait.ge [sflag:s9], $0x200  }
0x30: {  	[sflag:s9] =	ssyncset.done $0x0  }
0x31: {  	[sflag:s9] =	ssyncadd.s32 $0xFFFFFE00  }
0x32: {  	_ =	swait.ge [sflag:s9], $0x200  }
0x33: {  	[sflag:s9] =	ssyncset.done $0x0  }
0x34: {  	s17 =	simm.s32 $0x8600;
	[sflag:s9] =	ssyncadd.s32 $0xFFFFFE00  }
0x35: {  	[tilespmem:s17], [sflag:$0x5] =	stream.indirect.gather [spmem:s0], $0x40, s5, s5, $0xb8;
	[tilespmem:$0x18B10] =	vst v63  }
0x36: {  	s18 =	simm.s32 $0x10600;
	s19 =	simm.s32 $0x5  }
0x37: {  	[tilespmem:s18], [sflag:$0x6] =	stream.indirect.gather [spmem:s1], $0x40, s6, s5, $0xb8;
	[tilespmem:$0x18B10] =	vst v63  }
0x38: {  	_ =	swait.ge [sflag:s19], $0x8000  }
0x39: {  	s22 =	simm.s32 $0x6;
	s20 =	simm.s32 $0x40;
	[sflag:s19] =	ssyncset.done $0x0  }
0x3a: {  	s21 =	simm.s32 $0xC0;
	s23 =	rddreg [dreg:$0xd];
	[sflag:s19] =	ssyncadd.s32 $0xFFFF8000  }
0x3b: {  	[hbm4b:s23+s20] =	stream.strided.scatter [tilespmem:s17], [sflag:$0x8], $0x8000, s21, s20, $0x38;
	[tilespmem:$0x18B10] =	vst v63  }
0x3c: {  	_ =	swait.ge [sflag:s22], $0x8000  }
0x3d: {  	[sflag:s22] =	ssyncset.done $0x0  }
0x3e: {  	s23 =	simm.s32 $0x1;
	s24 =	rddreg [dreg:$0xe];
	[sflag:s22] =	ssyncadd.s32 $0xFFFF8000  }
0x3f: {  	[hbm4b:s24+s20] =	stream.strided.scatter [tilespmem:s18], [sflag:$0x9], $0x8000, s21, s20, $0x38;
	[tilespmem:$0x18B10] =	vst v63  }
0x40: {  	_ =	swait.ge [sflag:s23], $0x2000  }
0x41: {  	[sflag:s23] =	ssyncset.done $0x0  }
0x42: {  	s24 =	simm.s32 $0x2;
	[sflag:s23] =	ssyncadd.s32 $0xFFFFE000  }
0x43: {  	_ =	swait.ge [sflag:s24], $0x2000  }
0x44: {  	[sflag:s24] =	ssyncset.done $0x0  }
0x45: {  	s25 =	simm.s32 $0x3;
	[sflag:s24] =	ssyncadd.s32 $0xFFFFE000  }
0x46: {  	_ =	swait.ge [sflag:s25], $0x2000  }
0x47: {  	[sflag:s25] =	ssyncset.done $0x0  }
0x48: {  	s29 =	ssub.s32 $0x2, s29;
	s26 =	simm.s32 $0x4;
	[sflag:s25] =	ssyncadd.s32 $0xFFFFE000  }
0x49: {  	s30 =	sshrl.u32 s29, $0x1;
	_ =	swait.ge [sflag:s26], $0x2000  }
0x4a: {  	s30 =	ssub.s32 s29, s30;
	[sflag:s26] =	ssyncset.done $0x0  }
0x4b: {  	s28 =	simm.s32 $0x8;
	s30 =	smax.u32 s30, $0x1;
	[sflag:s26] =	ssyncadd.s32 $0xFFFFE000  }
0x4c: {  	[hbm4b:s4+s20] =	stream.strided.scatter [tilespmem:s12], [sflag:$0x7], $0x8000, s21, s20, $0x38;
	[tilespmem:$0x18B10] =	vst v63  }
0x4d: {  	s30 =	sadd.s32 $0xFFFFFFFF, s30;
	_ =	swait.ge [sflag:s28], $0x8000  }
0x4e: {  	p1 =	sne.s32 s30, $0x0;
	[sflag:s28] =	ssyncset.done $0x0  }
.Ltmp0:
0x4f: {  	s29 =	simm.s32 $0x9;
	[sflag:s28] =	ssyncadd.s32 $0xFFFF8000;
	(pc) =	sbr.rel @!p1 .LBB2_3-.Ltmp0, $4  }
0x50: {  	_ =	swait.ge [sflag:s29], $0x8000  }
0x51: {  	[sflag:s29] =	ssyncset.done $0x0  }
0x52: {  	s31 =	simm.s32 $0x7;
	[sflag:s29] =	ssyncadd.s32 $0xFFFF8000  }
0x53: {  	s16 =	simm.s32 $0x6600;
	_ =	swait.ge [sflag:s31], $0x8000  }
0x54: {  	s14 =	smov.u32 s0;
	s15 =	smov.u32 s1  }
.LBB2_2:
0x55: {  	s0 =	rddreg [dreg:$0xf]  }
0x56: {  	[sflag:s31] =	ssyncset.done $0x0;
	s1 =	rddreg [dreg:$0xa]  }
0x57: {  	s2 =	rddreg [dreg:$0x8];
	[sflag:s31] =	ssyncadd.s32 $0xFFFF8000  }
0x58: {  	[tilespmem:s3], [sflag:$0xA] =	stream.linear.gather [hbm4b:s1+s3], $0x200, $0x38;
	[tilespmem:$0x18B10] =	vst v63  }
0x59: {  	s13 =	rddreg [dreg:$0xb]  }
0x5a: {  	[tilespmem:s5], [sflag:$0xA] =	stream.linear.gather [hbm4b:s13+s3], $0x200, $0x38;
	[tilespmem:$0x18B10] =	vst v63  }
0x5b: {  	s1 =	rddreg [dreg:$0xc]  }
0x5c: {  	[tilespmem:s6], [sflag:$0xA] =	stream.linear.gather [hbm4b:s1+s3], $0x200, $0x38;
	[tilespmem:$0x18B10] =	vst v63  }
0x5d: {  	[spmem:s0], [sflag:s7] =	dma.local @!p0 [hbm:s2], $0xA8  }
0x5e: {  	_ =	swait.ge @!p0 [sflag:s8], $0xA8  }
0x5f: {  	[sflag:s8] =	ssyncset.done @!p0 $0x0;
	s0 =	rddreg [dreg:$0x9]  }
0x60: {  	s1 =	rddreg [dreg:$0x10];
	[sflag:s8] =	ssyncadd.s32 @!p0 $0xFFFFFF58  }
0x61: {  	[spmem:s1], [sflag:s7] =	dma.local @!p0 [hbm:s0], $0x968  }
0x62: {  	_ =	swait.ge @!p0 [sflag:s8], $0x968  }
0x63: {  	[sflag:s8] =	ssyncset.done @!p0 $0x0  }
0x64: {  	[sflag:s8] =	ssyncadd.s32 @!p0 $0xFFFFF698  }
0x65: {  	_ =	swait.ge [sflag:s9], $0x200  }
0x66: {  	[sflag:s9] =	ssyncset.done $0x0  }
0x67: {  	[sflag:s9] =	ssyncadd.s32 $0xFFFFFE00  }
0x68: {  	[tilespmem:s12], [sflag:$0x1] =	stream.indirect.gather [hbm4b:s10+s11], $0x40, s3, s11, $0xb8;
	[tilespmem:$0x18B10] =	vst v63  }
0x69: {  	s1 =	rddreg [dreg:$0x11]  }
0x6a: {  	[tilespmem:s1], [sflag:$0x2] =	stream.indirect.gather [hbm4b:s10+s11], $0x40, s11, s11, $0xb8;
	[tilespmem:$0x18B10] =	vst v63  }
0x6b: {  	s13 =	simm.s32 $0x4600;
	s2 =	simm.s32 $0x100  }
0x6c: {  	[tilespmem:s13], [sflag:$0x3] =	stream.indirect.gather [hbm4b:s10+s11], $0x40, s2, s11, $0xb8;
	[tilespmem:$0x18B10] =	vst v63  }
0x6d: {  	s1 =	simm.s32 $0x180  }
0x6e: {  	[tilespmem:s16], [sflag:$0x4] =	stream.indirect.gather [hbm4b:s10+s11], $0x40, s1, s11, $0xb8;
	[tilespmem:$0x18B10] =	vst v63  }
0x6f: {  	[bflag:$0x0] =	sbarrier.arrive $0xFFFF  }
0x70: {  	_ =	swait.ge [sflag:s9], $0x200  }
0x71: {  	[sflag:s9] =	ssyncset.done $0x0  }
0x72: {  	[sflag:s9] =	ssyncadd.s32 $0xFFFFFE00  }
0x73: {  	_ =	swait.ge [sflag:s9], $0x200  }
0x74: {  	[sflag:s9] =	ssyncset.done $0x0  }
0x75: {  	[sflag:s9] =	ssyncadd.s32 $0xFFFFFE00  }
0x76: {  	[tilespmem:s17], [sflag:$0x5] =	stream.indirect.gather [spmem:s14], $0x40, s5, s5, $0xb8;
	[tilespmem:$0x18B10] =	vst v63  }
0x77: {  	_ = 	snop  }
0x78: {  	[tilespmem:s18], [sflag:$0x6] =	stream.indirect.gather [spmem:s15], $0x40, s6, s5, $0xb8;
	[tilespmem:$0x18B10] =	vst v63  }
0x79: {  	_ =	swait.ge [sflag:s19], $0x8000  }
0x7a: {  	[sflag:s19] =	ssyncset.done $0x0  }
0x7b: {  	s2 =	rddreg [dreg:$0xd];
	[sflag:s19] =	ssyncadd.s32 $0xFFFF8000  }
0x7c: {  	[hbm4b:s2+s20] =	stream.strided.scatter [tilespmem:s17], [sflag:$0x8], $0x8000, s21, s20, $0x38;
	[tilespmem:$0x18B10] =	vst v63  }
0x7d: {  	_ =	swait.ge [sflag:s22], $0x8000  }
0x7e: {  	[sflag:s22] =	ssyncset.done $0x0  }
0x7f: {  	s13 =	rddreg [dreg:$0xe];
	[sflag:s22] =	ssyncadd.s32 $0xFFFF8000  }
0x80: {  	[hbm4b:s13+s20] =	stream.strided.scatter [tilespmem:s18], [sflag:$0x9], $0x8000, s21, s20, $0x38;
	[tilespmem:$0x18B10] =	vst v63  }
0x81: {  	_ =	swait.ge [sflag:s23], $0x2000  }
0x82: {  	[sflag:s23] =	ssyncset.done $0x0  }
0x83: {  	[sflag:s23] =	ssyncadd.s32 $0xFFFFE000  }
0x84: {  	_ =	swait.ge [sflag:s24], $0x2000  }
0x85: {  	[sflag:s24] =	ssyncset.done $0x0  }
0x86: {  	[sflag:s24] =	ssyncadd.s32 $0xFFFFE000  }
0x87: {  	_ =	swait.ge [sflag:s25], $0x2000  }
0x88: {  	[sflag:s25] =	ssyncset.done $0x0  }
0x89: {  	[sflag:s25] =	ssyncadd.s32 $0xFFFFE000  }
0x8a: {  	_ =	swait.ge [sflag:s26], $0x2000  }
0x8b: {  	[sflag:s26] =	ssyncset.done $0x0  }
0x8c: {  	[sflag:s26] =	ssyncadd.s32 $0xFFFFE000  }
0x8d: {  	[hbm4b:s4+s20] =	stream.strided.scatter [tilespmem:s12], [sflag:$0x7], $0x8000, s21, s20, $0x38;
	[tilespmem:$0x18B10] =	vst v63  }
0x8e: {  	s30 =	sadd.s32 $0xFFFFFFFF, s30;
	_ =	swait.ge [sflag:s28], $0x8000  }
0x8f: {  	p1 =	sne.s32 s30, $0x0;
	[sflag:s28] =	ssyncset.done $0x0  }
.Ltmp1:
0x90: {  	[sflag:s28] =	ssyncadd.s32 $0xFFFF8000;
	(pc) =	sbr.rel @p1 .LBB2_2-.Ltmp1, $4  }
0x91: {  	_ =	swait.ge [sflag:s29], $0x8000  }
0x92: {  	[sflag:s29] =	ssyncset.done $0x0  }
0x93: {  	[sflag:s29] =	ssyncadd.s32 $0xFFFF8000  }
0x94: {  	_ =	swait.ge [sflag:s31], $0x8000  }
.LBB2_3:
0x95: {  	[sflag:s31] =	ssyncset.done $0x0  }
0x96: {  	[sflag:s31] =	ssyncadd.s32 $0xFFFF8000  }
0x97: {  	_ =	sfence.sel $0x180000  }
0x98: {  	[bflag:$0x0] =	sbarrier.arrive $0xFFFF  }
0x99: {  	_ =	strace $0x90000047  }
0x9a: {  	[bflag:$0x2] =	sbarrier.arrive $0xFFFF  }
0x9b: {  	s0 =	rddreg [dreg:$0x7]  }
0x9c: {  	s0 =	sadd.s32 @!p0 $0x100000, s0  }
0x9d: {  	[sflag:s0] =	ssyncadd.tile.s32 @!p0 $0x1;
	_ =	shalt  }
.Lfunc_end2:
_tile_overlayer_lowered:
.L_overlay_start_2:
0x9e: {  	(tag) =	ssettag $0x2  }
0x9f: {  	s0 =	rddreg [dreg:$0x0];
	s2 =	stileid.u32  }
0xa0: {  	s1 =	rddreg [dreg:$0x1];
	p0 =	sne.s32 s2, $0x0  }
0xa1: {  	s3 =	rddreg [dreg:$0x2];
	[bflag:$0x3] =	sbarrier.arrive $0xFFFF;
	s2 =	simm.s32 @!p0 $0x1C0B  }
0xa2: {  	[timem:s3], [sflag:s2] =	dma.local @!p0 [hbm:s0], s1  }
0xa3: {  	s0 =	simm.s32 @!p0 $0xB  }
0xa4: {  	_ =	swait.ge @!p0 [sflag:s0], s1  }
0xa5: {  	s1 =	ssub.s32 @!p0 $0x0, s1;
	[sflag:s0] =	ssyncset.done @!p0 $0x0  }
0xa6: {  	[sflag:s0] =	ssyncadd.s32 @!p0 s1  }
0xa7: {  	[bflag:$0x3] =	sbarrier.arrive $0xFFFF  }
0xa8: {  	_ =	shalt  }

</sc_bundles>
